<compile_context>
chip_gen: v7x
topology: tpu7x:2x2x1
jax: 0.10.2.dev20260603
libtpu: 0.0.44.dev20260713+nightly
codegen_flags: <defaults>
</compile_context>

<pallas_src>
import functools

import jax
import jax.numpy as jnp
from jax.experimental import pallas as pl
from jax.experimental.pallas import tpu as pltpu

_K = 5
_TOPN = _K + 1
_DEPTH = _K + 2
_NEG = float("-inf")


def _extract_top(cat, n):
    cat_cols = jax.lax.broadcasted_iota(jnp.int32, cat.shape, 1)
    big = jnp.int32(2**31 - 1)
    outs = []
    for _ in range(n):
        v = jnp.max(cat, axis=1, keepdims=True)
        hit = cat == v
        idx = jnp.min(jnp.where(hit, cat_cols, big), axis=1, keepdims=True)
        cat = jnp.where(cat_cols == idx, _NEG, cat)
        outs.append(v)
    return jnp.concatenate(outs, axis=1)


_SORT8_NET = (
    (0, 1), (2, 3), (4, 5), (6, 7),
    (0, 2), (1, 3), (4, 6), (5, 7),
    (1, 2), (5, 6),
    (0, 4), (1, 5), (2, 6), (3, 7),
    (2, 4), (3, 5),
    (1, 2), (3, 4), (5, 6),
)


def _sort8(vs):
    vs = list(vs)
    for a, b in _SORT8_NET:
        hi = jnp.maximum(vs[a], vs[b])
        lo = jnp.minimum(vs[a], vs[b])
        vs[a], vs[b] = hi, lo
    return vs


def _merge8(tup, s):
    m = [jnp.maximum(s[i], tup[7 - i]) for i in range(8)]
    for dist in (4, 2, 1):
        for i in range(8):
            if (i // dist) % 2 == 0:
                hi = jnp.maximum(m[i], m[i + dist])
                lo = jnp.minimum(m[i], m[i + dist])
                m[i], m[i + dist] = hi, lo
    return m


def _body(yhi_ref, ylo_ref, x_ref, out_ref, *, rows, nf, w, total_rows):
    i = pl.program_id(0)
    ylo = ylo_ref[...]

    unroll = 16
    def step(j, carry):
        ta = list(carry[:8])
        tb = list(carry[8:])
        for c in range(0, unroll, 16):
            base = unroll * j + c
            batcha = [x_ref[base + q, :, :] for q in range(8)]
            batchb = [x_ref[base + 8 + q, :, :] for q in range(8)]
            ta = _merge8(ta, _sort8(batcha))
            tb = _merge8(tb, _sort8(batchb))
        return (*ta, *tb)

    init = tuple(jnp.full((rows, w), _NEG, jnp.float32) for _ in range(16))
    res = jax.lax.fori_loop(0, nf // unroll, step, init)

    cand = jnp.concatenate(res, axis=1)
    top7 = _extract_top(cand, _DEPTH)

    lane = jax.lax.broadcasted_iota(jnp.int32, (rows, w), 1)
    tmat = jnp.concatenate(
        [x_ref[yhi_ref[r, 0], r, :].reshape(1, w) for r in range(rows)],
        axis=0)
    t = jnp.sum(jnp.where(lane == ylo, tmat, 0.0), axis=1, keepdims=True)

    m = top7[:, :1]
    m3 = m.reshape(1, rows, 1)
    xb = x_ref[...]
    s = jnp.sum(jnp.sum(jnp.exp(xb - m3), axis=2), axis=0).reshape(rows, 1)

    l6 = top7[:, _TOPN:]
    dropval = jnp.where(t >= l6, t, l6)
    cols7 = jax.lax.broadcasted_iota(jnp.int32, (rows, _DEPTH), 1)
    hit = top7 == dropval
    dropidx = jnp.min(jnp.where(hit, cols7, jnp.int32(2**31 - 1)),
                      axis=1, keepdims=True)
    keep = cols7 != dropidx

    pp = jnp.exp(t - m) / s
    pn = jnp.exp(top7 - m) / s
    terms = (1.0 + pn - pp) ** 2
    loss = jnp.sum(jnp.where(keep, terms, 0.0), axis=1, keepdims=True) / _K
    part = (jnp.sum(loss) / total_rows).reshape(1, 1)

    @pl.when(i == 0)
    def _init_out():
        out_ref[...] = jnp.zeros((1, 1), jnp.float32)

    out_ref[...] += part


@functools.partial(jax.jit, static_argnames=("w", "rblk"))
def _run(pred, y2, w, rblk):
    rows, nclass = pred.shape
    nf = nclass // w
    pred3 = jnp.transpose(pred.reshape(rows, nf, w), (1, 0, 2))
    yhi = y2 // w
    ylo = y2 % w
    body = functools.partial(_body, rows=rblk, nf=nf, w=w, total_rows=rows)
    out = pl.pallas_call(
        body,
        grid=(rows // rblk,),
        in_specs=[
            pl.BlockSpec((rblk, 1), lambda i: (i, 0),
                         memory_space=pltpu.SMEM),
            pl.BlockSpec((rblk, 1), lambda i: (i, 0)),
            pl.BlockSpec((nf, rblk, w), lambda i: (0, i, 0)),
        ],
        out_specs=pl.BlockSpec((1, 1), lambda i: (0, 0)),
        out_shape=jax.ShapeDtypeStruct((1, 1), jnp.float32),
        compiler_params=pltpu.CompilerParams(
            dimension_semantics=("arbitrary",)),
    )(yhi, ylo, pred3)
    return out[0, 0]


def kernel(pred, y, epoch=0):
    rows, nclass = pred.shape
    for cand in (250, 125, 100, 50, 25, 20, 10, 5, 4, 2, 1):
        if nclass % (cand * 16) == 0:
            w = cand
            break
    else:
        w = nclass
    rblk = 8 if rows % 8 == 0 else rows
    y2 = y.reshape(rows, 1).astype(jnp.int32)
    return _run(pred, y2, w, rblk)

# --- scband reference (transcript-rebuilt; emitter-appended) ---
"""Pipeline reference for scband-standard-autkcloss-30081950941417 (READ-ONLY COPY).

The authoritative reference and input builder live on the scoring server;
editing this copy changes nothing except your own understanding.
"""

import jax, jax.numpy as jnp
import numpy as np

K = 5
EPOCH_TO_PACED = 0


def setup_inputs(seed: int = 0) -> dict:
    key = jax.random.key(seed)
    k1, k2 = jax.random.split(key)
    pred = jax.random.normal(k1, (128, 100000), dtype=jnp.float32)
    y = jax.random.randint(k2, (128,), 0, 100000, dtype=jnp.int32)
    return {"pred": pred, "y": y, "epoch": 0}


def reference(pred, y, epoch=0):
    # epoch >= epoch_to_paced (0 >= 0), so the AUTKC branch is taken.
    num_class = pred.shape[1]
    # surrogate != 'Hinge' -> softmax
    probs = jax.nn.softmax(pred, axis=-1)
    # pred_p: probability of the true class, shape [B, 1]
    pred_p = jnp.take_along_axis(probs, y[:, None].astype(jnp.int32), axis=1)
    # pred_n: all non-target probabilities; sort descending and take top K+1.
    # Equivalent: mask out the target entry with -inf and take top_k(K+1).
    target_mask = jax.nn.one_hot(y, num_class, dtype=jnp.bool_)
    pred_n_masked = jnp.where(target_mask, -jnp.inf, probs)
    top_pred_n, _ = jax.lax.top_k(pred_n_masked, K + 1)
    # surrogate == 'Sq'
    loss = (1.0 + top_pred_n - pred_p) ** 2
    loss = jnp.sum(loss, axis=-1) / K
    return jnp.mean(loss)

if __name__ == "__main__":
    import jax
    _d = setup_inputs()
    print(jax.jit(kernel)(*tuple(_d.values())))

</pallas_src>

<mosaic_0001>
module attributes {stable_mosaic.version = 14 : i64} {
  func.func @_body(%arg0: i32, %arg1: memref<8x1xi32, #tpu.memory_space<smem>>, %arg2: memref<8x1xi32, #tpu.memory_space<vmem>>, %arg3: memref<400x8x250xf32, #tpu.memory_space<vmem>>, %arg4: memref<1x1xf32, #tpu.memory_space<vmem>>) attributes {dimension_semantics = [#tpu.dimension_semantics<arbitrary>], iteration_bounds = array<i64: 16>, scalar_prefetch = 0 : i64, scratch_operands = 0 : i64, tpu.core_type = #tpu.core_type<tc>, window_params = [{transform_indices = @transform_0, window_bounds = array<i64: 8, 1>}, {transform_indices = @transform_1, window_bounds = array<i64: 8, 1>}, {transform_indices = @transform_2, window_bounds = array<i64: 400, 8, 250>}, {pipeline_mode = #tpu.pipeline_mode<synchronous>, transform_indices = @transform_3, window_bounds = array<i64: 1, 1>}]} {
    %get3A = arith.constant 0 : index
    %get3A_0 = arith.constant 0 : index
    %get3A_1 = vector.load %arg2[%get3A, %get3A_0] : memref<8x1xi32, #tpu.memory_space<vmem>>, vector<8x1xi32>
    %broadcast_in_dim3A = arith.constant 0xFF800000 : f32
    %broadcast_in_dim3A_2 = vector.broadcast %broadcast_in_dim3A : f32 to vector<8x250xf32>
    %broadcast_in_dim3A_3 = arith.constant 0xFF800000 : f32
    %broadcast_in_dim3A_4 = vector.broadcast %broadcast_in_dim3A_3 : f32 to vector<8x250xf32>
    %broadcast_in_dim3A_5 = arith.constant 0xFF800000 : f32
    %broadcast_in_dim3A_6 = vector.broadcast %broadcast_in_dim3A_5 : f32 to vector<8x250xf32>
    %broadcast_in_dim3A_7 = arith.constant 0xFF800000 : f32
    %broadcast_in_dim3A_8 = vector.broadcast %broadcast_in_dim3A_7 : f32 to vector<8x250xf32>
    %broadcast_in_dim3A_9 = arith.constant 0xFF800000 : f32
    %broadcast_in_dim3A_10 = vector.broadcast %broadcast_in_dim3A_9 : f32 to vector<8x250xf32>
    %broadcast_in_dim3A_11 = arith.constant 0xFF800000 : f32
    %broadcast_in_dim3A_12 = vector.broadcast %broadcast_in_dim3A_11 : f32 to vector<8x250xf32>
    %broadcast_in_dim3A_13 = arith.constant 0xFF800000 : f32
    %broadcast_in_dim3A_14 = vector.broadcast %broadcast_in_dim3A_13 : f32 to vector<8x250xf32>
    %broadcast_in_dim3A_15 = arith.constant 0xFF800000 : f32
    %broadcast_in_dim3A_16 = vector.broadcast %broadcast_in_dim3A_15 : f32 to vector<8x250xf32>
    %broadcast_in_dim3A_17 = arith.constant 0xFF800000 : f32
    %broadcast_in_dim3A_18 = vector.broadcast %broadcast_in_dim3A_17 : f32 to vector<8x250xf32>
    %broadcast_in_dim3A_19 = arith.constant 0xFF800000 : f32
    %broadcast_in_dim3A_20 = vector.broadcast %broadcast_in_dim3A_19 : f32 to vector<8x250xf32>
    %broadcast_in_dim3A_21 = arith.constant 0xFF800000 : f32
    %broadcast_in_dim3A_22 = vector.broadcast %broadcast_in_dim3A_21 : f32 to vector<8x250xf32>
    %broadcast_in_dim3A_23 = arith.constant 0xFF800000 : f32
    %broadcast_in_dim3A_24 = vector.broadcast %broadcast_in_dim3A_23 : f32 to vector<8x250xf32>
    %broadcast_in_dim3A_25 = arith.constant 0xFF800000 : f32
    %broadcast_in_dim3A_26 = vector.broadcast %broadcast_in_dim3A_25 : f32 to vector<8x250xf32>
    %broadcast_in_dim3A_27 = arith.constant 0xFF800000 : f32
    %broadcast_in_dim3A_28 = vector.broadcast %broadcast_in_dim3A_27 : f32 to vector<8x250xf32>
    %broadcast_in_dim3A_29 = arith.constant 0xFF800000 : f32
    %broadcast_in_dim3A_30 = vector.broadcast %broadcast_in_dim3A_29 : f32 to vector<8x250xf32>
    %broadcast_in_dim3A_31 = arith.constant 0xFF800000 : f32
    %broadcast_in_dim3A_32 = vector.broadcast %broadcast_in_dim3A_31 : f32 to vector<8x250xf32>
    %scan3A = arith.constant 0 : i32
    %scan3A_33 = arith.constant 25 : i32
    %scan3A_34 = arith.addi %scan3A, %scan3A_33 : i32
    %scan3A_35 = arith.constant 1 : i32
    %scan3A_36:16 = scf.for %scan3A_273 = %scan3A to %scan3A_34 step %scan3A_35 iter_args(%scan3A_274 = %broadcast_in_dim3A_2, %scan3A_275 = %broadcast_in_dim3A_4, %scan3A_276 = %broadcast_in_dim3A_6, %scan3A_277 = %broadcast_in_dim3A_8, %scan3A_278 = %broadcast_in_dim3A_10, %scan3A_279 = %broadcast_in_dim3A_12, %scan3A_280 = %broadcast_in_dim3A_14, %scan3A_281 = %broadcast_in_dim3A_16, %scan3A_282 = %broadcast_in_dim3A_18, %scan3A_283 = %broadcast_in_dim3A_20, %scan3A_284 = %broadcast_in_dim3A_22, %scan3A_285 = %broadcast_in_dim3A_24, %scan3A_286 = %broadcast_in_dim3A_26, %scan3A_287 = %broadcast_in_dim3A_28, %scan3A_288 = %broadcast_in_dim3A_30, %scan3A_289 = %broadcast_in_dim3A_32) -> (vector<8x250xf32>, vector<8x250xf32>, vector<8x250xf32>, vector<8x250xf32>, vector<8x250xf32>, vector<8x250xf32>, vector<8x250xf32>, vector<8x250xf32>, vector<8x250xf32>, vector<8x250xf32>, vector<8x250xf32>, vector<8x250xf32>, vector<8x250xf32>, vector<8x250xf32>, vector<8x250xf32>, vector<8x250xf32>)  : i32 {
      %mul3A = arith.constant 16 : i32
      %mul3A_290 = arith.muli %mul3A, %scan3A_273 : i32
      %add3A_291 = arith.constant 0 : i32
      %add3A_292 = arith.addi %mul3A_290, %add3A_291 : i32
      %add3A_293 = arith.constant 0 : i32
      %add3A_294 = arith.addi %add3A_292, %add3A_293 : i32
      %get3A_295 = arith.index_cast %add3A_294 : i32 to index
      %get3A_296 = arith.constant 0 : index
      %get3A_297 = arith.constant 0 : index
      %get3A_298 = vector.load %arg3[%get3A_295, %get3A_296, %get3A_297] : memref<400x8x250xf32, #tpu.memory_space<vmem>>, vector<1x8x250xf32>
      %get3A_299 = vector.shape_cast %get3A_298 : vector<1x8x250xf32> to vector<8x250xf32>
      %add3A_300 = arith.constant 1 : i32
      %add3A_301 = arith.addi %add3A_292, %add3A_300 : i32
      %get3A_302 = arith.index_cast %add3A_301 : i32 to index
      %get3A_303 = arith.constant 0 : index
      %get3A_304 = arith.constant 0 : index
      %get3A_305 = vector.load %arg3[%get3A_302, %get3A_303, %get3A_304] : memref<400x8x250xf32, #tpu.memory_space<vmem>>, vector<1x8x250xf32>
      %get3A_306 = vector.shape_cast %get3A_305 : vector<1x8x250xf32> to vector<8x250xf32>
      %add3A_307 = arith.constant 2 : i32
      %add3A_308 = arith.addi %add3A_292, %add3A_307 : i32
      %get3A_309 = arith.index_cast %add3A_308 : i32 to index
      %get3A_310 = arith.constant 0 : index
      %get3A_311 = arith.constant 0 : index
      %get3A_312 = vector.load %arg3[%get3A_309, %get3A_310, %get3A_311] : memref<400x8x250xf32, #tpu.memory_space<vmem>>, vector<1x8x250xf32>
      %get3A_313 = vector.shape_cast %get3A_312 : vector<1x8x250xf32> to vector<8x250xf32>
      %add3A_314 = arith.constant 3 : i32
      %add3A_315 = arith.addi %add3A_292, %add3A_314 : i32
      %get3A_316 = arith.index_cast %add3A_315 : i32 to index
      %get3A_317 = arith.constant 0 : index
      %get3A_318 = arith.constant 0 : index
      %get3A_319 = vector.load %arg3[%get3A_316, %get3A_317, %get3A_318] : memref<400x8x250xf32, #tpu.memory_space<vmem>>, vector<1x8x250xf32>
      %get3A_320 = vector.shape_cast %get3A_319 : vector<1x8x250xf32> to vector<8x250xf32>
      %add3A_321 = arith.constant 4 : i32
      %add3A_322 = arith.addi %add3A_292, %add3A_321 : i32
      %get3A_323 = arith.index_cast %add3A_322 : i32 to index
      %get3A_324 = arith.constant 0 : index
      %get3A_325 = arith.constant 0 : index
      %get3A_326 = vector.load %arg3[%get3A_323, %get3A_324, %get3A_325] : memref<400x8x250xf32, #tpu.memory_space<vmem>>, vector<1x8x250xf32>
      %get3A_327 = vector.shape_cast %get3A_326 : vector<1x8x250xf32> to vector<8x250xf32>
      %add3A_328 = arith.constant 5 : i32
      %add3A_329 = arith.addi %add3A_292, %add3A_328 : i32
      %get3A_330 = arith.index_cast %add3A_329 : i32 to index
      %get3A_331 = arith.constant 0 : index
      %get3A_332 = arith.constant 0 : index
      %get3A_333 = vector.load %arg3[%get3A_330, %get3A_331, %get3A_332] : memref<400x8x250xf32, #tpu.memory_space<vmem>>, vector<1x8x250xf32>
      %get3A_334 = vector.shape_cast %get3A_333 : vector<1x8x250xf32> to vector<8x250xf32>
      %add3A_335 = arith.constant 6 : i32
      %add3A_336 = arith.addi %add3A_292, %add3A_335 : i32
      %get3A_337 = arith.index_cast %add3A_336 : i32 to index
      %get3A_338 = arith.constant 0 : index
      %get3A_339 = arith.constant 0 : index
      %get3A_340 = vector.load %arg3[%get3A_337, %get3A_338, %get3A_339] : memref<400x8x250xf32, #tpu.memory_space<vmem>>, vector<1x8x250xf32>
      %get3A_341 = vector.shape_cast %get3A_340 : vector<1x8x250xf32> to vector<8x250xf32>
      %add3A_342 = arith.constant 7 : i32
      %add3A_343 = arith.addi %add3A_292, %add3A_342 : i32
      %get3A_344 = arith.index_cast %add3A_343 : i32 to index
      %get3A_345 = arith.constant 0 : index
      %get3A_346 = arith.constant 0 : index
      %get3A_347 = vector.load %arg3[%get3A_344, %get3A_345, %get3A_346] : memref<400x8x250xf32, #tpu.memory_space<vmem>>, vector<1x8x250xf32>
      %get3A_348 = vector.shape_cast %get3A_347 : vector<1x8x250xf32> to vector<8x250xf32>
      %add3A_349 = arith.constant 8 : i32
      %add3A_350 = arith.addi %add3A_292, %add3A_349 : i32
      %add3A_351 = arith.constant 0 : i32
      %add3A_352 = arith.addi %add3A_350, %add3A_351 : i32
      %get3A_353 = arith.index_cast %add3A_352 : i32 to index
      %get3A_354 = arith.constant 0 : index
      %get3A_355 = arith.constant 0 : index
      %get3A_356 = vector.load %arg3[%get3A_353, %get3A_354, %get3A_355] : memref<400x8x250xf32, #tpu.memory_space<vmem>>, vector<1x8x250xf32>
      %get3A_357 = vector.shape_cast %get3A_356 : vector<1x8x250xf32> to vector<8x250xf32>
      %add3A_358 = arith.constant 8 : i32
      %add3A_359 = arith.addi %add3A_292, %add3A_358 : i32
      %add3A_360 = arith.constant 1 : i32
      %add3A_361 = arith.addi %add3A_359, %add3A_360 : i32
      %get3A_362 = arith.index_cast %add3A_361 : i32 to index
      %get3A_363 = arith.constant 0 : index
      %get3A_364 = arith.constant 0 : index
      %get3A_365 = vector.load %arg3[%get3A_362, %get3A_363, %get3A_364] : memref<400x8x250xf32, #tpu.memory_space<vmem>>, vector<1x8x250xf32>
      %get3A_366 = vector.shape_cast %get3A_365 : vector<1x8x250xf32> to vector<8x250xf32>
      %add3A_367 = arith.constant 8 : i32
      %add3A_368 = arith.addi %add3A_292, %add3A_367 : i32
      %add3A_369 = arith.constant 2 : i32
      %add3A_370 = arith.addi %add3A_368, %add3A_369 : i32
      %get3A_371 = arith.index_cast %add3A_370 : i32 to index
      %get3A_372 = arith.constant 0 : index
      %get3A_373 = arith.constant 0 : index
      %get3A_374 = vector.load %arg3[%get3A_371, %get3A_372, %get3A_373] : memref<400x8x250xf32, #tpu.memory_space<vmem>>, vector<1x8x250xf32>
      %get3A_375 = vector.shape_cast %get3A_374 : vector<1x8x250xf32> to vector<8x250xf32>
      %add3A_376 = arith.constant 8 : i32
      %add3A_377 = arith.addi %add3A_292, %add3A_376 : i32
      %add3A_378 = arith.constant 3 : i32
      %add3A_379 = arith.addi %add3A_377, %add3A_378 : i32
      %get3A_380 = arith.index_cast %add3A_379 : i32 to index
      %get3A_381 = arith.constant 0 : index
      %get3A_382 = arith.constant 0 : index
      %get3A_383 = vector.load %arg3[%get3A_380, %get3A_381, %get3A_382] : memref<400x8x250xf32, #tpu.memory_space<vmem>>, vector<1x8x250xf32>
      %get3A_384 = vector.shape_cast %get3A_383 : vector<1x8x250xf32> to vector<8x250xf32>
      %add3A_385 = arith.constant 8 : i32
      %add3A_386 = arith.addi %add3A_292, %add3A_385 : i32
      %add3A_387 = arith.constant 4 : i32
      %add3A_388 = arith.addi %add3A_386, %add3A_387 : i32
      %get3A_389 = arith.index_cast %add3A_388 : i32 to index
      %get3A_390 = arith.constant 0 : index
      %get3A_391 = arith.constant 0 : index
      %get3A_392 = vector.load %arg3[%get3A_389, %get3A_390, %get3A_391] : memref<400x8x250xf32, #tpu.memory_space<vmem>>, vector<1x8x250xf32>
      %get3A_393 = vector.shape_cast %get3A_392 : vector<1x8x250xf32> to vector<8x250xf32>
      %add3A_394 = arith.constant 8 : i32
      %add3A_395 = arith.addi %add3A_292, %add3A_394 : i32
      %add3A_396 = arith.constant 5 : i32
      %add3A_397 = arith.addi %add3A_395, %add3A_396 : i32
      %get3A_398 = arith.index_cast %add3A_397 : i32 to index
      %get3A_399 = arith.constant 0 : index
      %get3A_400 = arith.constant 0 : index
      %get3A_401 = vector.load %arg3[%get3A_398, %get3A_399, %get3A_400] : memref<400x8x250xf32, #tpu.memory_space<vmem>>, vector<1x8x250xf32>
      %get3A_402 = vector.shape_cast %get3A_401 : vector<1x8x250xf32> to vector<8x250xf32>
      %add3A_403 = arith.constant 8 : i32
      %add3A_404 = arith.addi %add3A_292, %add3A_403 : i32
      %add3A_405 = arith.constant 6 : i32
      %add3A_406 = arith.addi %add3A_404, %add3A_405 : i32
      %get3A_407 = arith.index_cast %add3A_406 : i32 to index
      %get3A_408 = arith.constant 0 : index
      %get3A_409 = arith.constant 0 : index
      %get3A_410 = vector.load %arg3[%get3A_407, %get3A_408, %get3A_409] : memref<400x8x250xf32, #tpu.memory_space<vmem>>, vector<1x8x250xf32>
      %get3A_411 = vector.shape_cast %get3A_410 : vector<1x8x250xf32> to vector<8x250xf32>
      %add3A_412 = arith.constant 8 : i32
      %add3A_413 = arith.addi %add3A_292, %add3A_412 : i32
      %add3A_414 = arith.constant 7 : i32
      %add3A_415 = arith.addi %add3A_413, %add3A_414 : i32
      %get3A_416 = arith.index_cast %add3A_415 : i32 to index
      %get3A_417 = arith.constant 0 : index
      %get3A_418 = arith.constant 0 : index
      %get3A_419 = vector.load %arg3[%get3A_416, %get3A_417, %get3A_418] : memref<400x8x250xf32, #tpu.memory_space<vmem>>, vector<1x8x250xf32>
      %get3A_420 = vector.shape_cast %get3A_419 : vector<1x8x250xf32> to vector<8x250xf32>
      %max3A = arith.maximumf %get3A_299, %get3A_306 : vector<8x250xf32>
      %min3A = arith.minimumf %get3A_299, %get3A_306 : vector<8x250xf32>
      %max3A_421 = arith.maximumf %get3A_313, %get3A_320 : vector<8x250xf32>
      %min3A_422 = arith.minimumf %get3A_313, %get3A_320 : vector<8x250xf32>
      %max3A_423 = arith.maximumf %get3A_327, %get3A_334 : vector<8x250xf32>
      %min3A_424 = arith.minimumf %get3A_327, %get3A_334 : vector<8x250xf32>
      %max3A_425 = arith.maximumf %get3A_341, %get3A_348 : vector<8x250xf32>
      %min3A_426 = arith.minimumf %get3A_341, %get3A_348 : vector<8x250xf32>
      %max3A_427 = arith.maximumf %max3A, %max3A_421 : vector<8x250xf32>
      %min3A_428 = arith.minimumf %max3A, %max3A_421 : vector<8x250xf32>
      %max3A_429 = arith.maximumf %min3A, %min3A_422 : vector<8x250xf32>
      %min3A_430 = arith.minimumf %min3A, %min3A_422 : vector<8x250xf32>
      %max3A_431 = arith.maximumf %max3A_423, %max3A_425 : vector<8x250xf32>
      %min3A_432 = arith.minimumf %max3A_423, %max3A_425 : vector<8x250xf32>
      %max3A_433 = arith.maximumf %min3A_424, %min3A_426 : vector<8x250xf32>
      %min3A_434 = arith.minimumf %min3A_424, %min3A_426 : vector<8x250xf32>
      %max3A_435 = arith.maximumf %max3A_429, %min3A_428 : vector<8x250xf32>
      %min3A_436 = arith.minimumf %max3A_429, %min3A_428 : vector<8x250xf32>
      %max3A_437 = arith.maximumf %max3A_433, %min3A_432 : vector<8x250xf32>
      %min3A_438 = arith.minimumf %max3A_433, %min3A_432 : vector<8x250xf32>
      %max3A_439 = arith.maximumf %max3A_427, %max3A_431 : vector<8x250xf32>
      %min3A_440 = arith.minimumf %max3A_427, %max3A_431 : vector<8x250xf32>
      %max3A_441 = arith.maximumf %max3A_435, %max3A_437 : vector<8x250xf32>
      %min3A_442 = arith.minimumf %max3A_435, %max3A_437 : vector<8x250xf32>
      %max3A_443 = arith.maximumf %min3A_436, %min3A_438 : vector<8x250xf32>
      %min3A_444 = arith.minimumf %min3A_436, %min3A_438 : vector<8x250xf32>
      %max3A_445 = arith.maximumf %min3A_430, %min3A_434 : vector<8x250xf32>
      %min3A_446 = arith.minimumf %min3A_430, %min3A_434 : vector<8x250xf32>
      %max3A_447 = arith.maximumf %max3A_443, %min3A_440 : vector<8x250xf32>
      %min3A_448 = arith.minimumf %max3A_443, %min3A_440 : vector<8x250xf32>
      %max3A_449 = arith.maximumf %max3A_445, %min3A_442 : vector<8x250xf32>
      %min3A_450 = arith.minimumf %max3A_445, %min3A_442 : vector<8x250xf32>
      %max3A_451 = arith.maximumf %max3A_441, %max3A_447 : vector<8x250xf32>
      %min3A_452 = arith.minimumf %max3A_441, %max3A_447 : vector<8x250xf32>
      %max3A_453 = arith.maximumf %max3A_449, %min3A_448 : vector<8x250xf32>
      %min3A_454 = arith.minimumf %max3A_449, %min3A_448 : vector<8x250xf32>
      %max3A_455 = arith.maximumf %min3A_450, %min3A_444 : vector<8x250xf32>
      %min3A_456 = arith.minimumf %min3A_450, %min3A_444 : vector<8x250xf32>
      %max3A_457 = arith.maximumf %max3A_439, %scan3A_281 : vector<8x250xf32>
      %max3A_458 = arith.maximumf %max3A_451, %scan3A_280 : vector<8x250xf32>
      %max3A_459 = arith.maximumf %min3A_452, %scan3A_279 : vector<8x250xf32>
      %max3A_460 = arith.maximumf %max3A_453, %scan3A_278 : vector<8x250xf32>
      %max3A_461 = arith.maximumf %min3A_454, %scan3A_277 : vector<8x250xf32>
      %max3A_462 = arith.maximumf %max3A_455, %scan3A_276 : vector<8x250xf32>
      %max3A_463 = arith.maximumf %min3A_456, %scan3A_275 : vector<8x250xf32>
      %max3A_464 = arith.maximumf %min3A_446, %scan3A_274 : vector<8x250xf32>
      %max3A_465 = arith.maximumf %max3A_457, %max3A_461 : vector<8x250xf32>
      %min3A_466 = arith.minimumf %max3A_457, %max3A_461 : vector<8x250xf32>
      %max3A_467 = arith.maximumf %max3A_458, %max3A_462 : vector<8x250xf32>
      %min3A_468 = arith.minimumf %max3A_458, %max3A_462 : vector<8x250xf32>
      %max3A_469 = arith.maximumf %max3A_459, %max3A_463 : vector<8x250xf32>
      %min3A_470 = arith.minimumf %max3A_459, %max3A_463 : vector<8x250xf32>
      %max3A_471 = arith.maximumf %max3A_460, %max3A_464 : vector<8x250xf32>
      %min3A_472 = arith.minimumf %max3A_460, %max3A_464 : vector<8x250xf32>
      %max3A_473 = arith.maximumf %max3A_465, %max3A_469 : vector<8x250xf32>
      %min3A_474 = arith.minimumf %max3A_465, %max3A_469 : vector<8x250xf32>
      %max3A_475 = arith.maximumf %max3A_467, %max3A_471 : vector<8x250xf32>
      %min3A_476 = arith.minimumf %max3A_467, %max3A_471 : vector<8x250xf32>
      %max3A_477 = arith.maximumf %min3A_466, %min3A_470 : vector<8x250xf32>
      %min3A_478 = arith.minimumf %min3A_466, %min3A_470 : vector<8x250xf32>
      %max3A_479 = arith.maximumf %min3A_468, %min3A_472 : vector<8x250xf32>
      %min3A_480 = arith.minimumf %min3A_468, %min3A_472 : vector<8x250xf32>
      %max3A_481 = arith.maximumf %max3A_473, %max3A_475 : vector<8x250xf32>
      %min3A_482 = arith.minimumf %max3A_473, %max3A_475 : vector<8x250xf32>
      %max3A_483 = arith.maximumf %min3A_474, %min3A_476 : vector<8x250xf32>
      %min3A_484 = arith.minimumf %min3A_474, %min3A_476 : vector<8x250xf32>
      %max3A_485 = arith.maximumf %max3A_477, %max3A_479 : vector<8x250xf32>
      %min3A_486 = arith.minimumf %max3A_477, %max3A_479 : vector<8x250xf32>
      %max3A_487 = arith.maximumf %min3A_478, %min3A_480 : vector<8x250xf32>
      %min3A_488 = arith.minimumf %min3A_478, %min3A_480 : vector<8x250xf32>
      %max3A_489 = arith.maximumf %get3A_357, %get3A_366 : vector<8x250xf32>
      %min3A_490 = arith.minimumf %get3A_357, %get3A_366 : vector<8x250xf32>
      %max3A_491 = arith.maximumf %get3A_375, %get3A_384 : vector<8x250xf32>
      %min3A_492 = arith.minimumf %get3A_375, %get3A_384 : vector<8x250xf32>
      %max3A_493 = arith.maximumf %get3A_393, %get3A_402 : vector<8x250xf32>
      %min3A_494 = arith.minimumf %get3A_393, %get3A_402 : vector<8x250xf32>
      %max3A_495 = arith.maximumf %get3A_411, %get3A_420 : vector<8x250xf32>
      %min3A_496 = arith.minimumf %get3A_411, %get3A_420 : vector<8x250xf32>
      %max3A_497 = arith.maximumf %max3A_489, %max3A_491 : vector<8x250xf32>
      %min3A_498 = arith.minimumf %max3A_489, %max3A_491 : vector<8x250xf32>
      %max3A_499 = arith.maximumf %min3A_490, %min3A_492 : vector<8x250xf32>
      %min3A_500 = arith.minimumf %min3A_490, %min3A_492 : vector<8x250xf32>
      %max3A_501 = arith.maximumf %max3A_493, %max3A_495 : vector<8x250xf32>
      %min3A_502 = arith.minimumf %max3A_493, %max3A_495 : vector<8x250xf32>
      %max3A_503 = arith.maximumf %min3A_494, %min3A_496 : vector<8x250xf32>
      %min3A_504 = arith.minimumf %min3A_494, %min3A_496 : vector<8x250xf32>
      %max3A_505 = arith.maximumf %max3A_499, %min3A_498 : vector<8x250xf32>
      %min3A_506 = arith.minimumf %max3A_499, %min3A_498 : vector<8x250xf32>
      %max3A_507 = arith.maximumf %max3A_503, %min3A_502 : vector<8x250xf32>
      %min3A_508 = arith.minimumf %max3A_503, %min3A_502 : vector<8x250xf32>
      %max3A_509 = arith.maximumf %max3A_497, %max3A_501 : vector<8x250xf32>
      %min3A_510 = arith.minimumf %max3A_497, %max3A_501 : vector<8x250xf32>
      %max3A_511 = arith.maximumf %max3A_505, %max3A_507 : vector<8x250xf32>
      %min3A_512 = arith.minimumf %max3A_505, %max3A_507 : vector<8x250xf32>
      %max3A_513 = arith.maximumf %min3A_506, %min3A_508 : vector<8x250xf32>
      %min3A_514 = arith.minimumf %min3A_506, %min3A_508 : vector<8x250xf32>
      %max3A_515 = arith.maximumf %min3A_500, %min3A_504 : vector<8x250xf32>
      %min3A_516 = arith.minimumf %min3A_500, %min3A_504 : vector<8x250xf32>
      %max3A_517 = arith.maximumf %max3A_513, %min3A_510 : vector<8x250xf32>
      %min3A_518 = arith.minimumf %max3A_513, %min3A_510 : vector<8x250xf32>
      %max3A_519 = arith.maximumf %max3A_515, %min3A_512 : vector<8x250xf32>
      %min3A_520 = arith.minimumf %max3A_515, %min3A_512 : vector<8x250xf32>
      %max3A_521 = arith.maximumf %max3A_511, %max3A_517 : vector<8x250xf32>
      %min3A_522 = arith.minimumf %max3A_511, %max3A_517 : vector<8x250xf32>
      %max3A_523 = arith.maximumf %max3A_519, %min3A_518 : vector<8x250xf32>
      %min3A_524 = arith.minimumf %max3A_519, %min3A_518 : vector<8x250xf32>
      %max3A_525 = arith.maximumf %min3A_520, %min3A_514 : vector<8x250xf32>
      %min3A_526 = arith.minimumf %min3A_520, %min3A_514 : vector<8x250xf32>
      %max3A_527 = arith.maximumf %max3A_509, %scan3A_289 : vector<8x250xf32>
      %max3A_528 = arith.maximumf %max3A_521, %scan3A_288 : vector<8x250xf32>
      %max3A_529 = arith.maximumf %min3A_522, %scan3A_287 : vector<8x250xf32>
      %max3A_530 = arith.maximumf %max3A_523, %scan3A_286 : vector<8x250xf32>
      %max3A_531 = arith.maximumf %min3A_524, %scan3A_285 : vector<8x250xf32>
      %max3A_532 = arith.maximumf %max3A_525, %scan3A_284 : vector<8x250xf32>
      %max3A_533 = arith.maximumf %min3A_526, %scan3A_283 : vector<8x250xf32>
      %max3A_534 = arith.maximumf %min3A_516, %scan3A_282 : vector<8x250xf32>
      %max3A_535 = arith.maximumf %max3A_527, %max3A_531 : vector<8x250xf32>
      %min3A_536 = arith.minimumf %max3A_527, %max3A_531 : vector<8x250xf32>
      %max3A_537 = arith.maximumf %max3A_528, %max3A_532 : vector<8x250xf32>
      %min3A_538 = arith.minimumf %max3A_528, %max3A_532 : vector<8x250xf32>
      %max3A_539 = arith.maximumf %max3A_529, %max3A_533 : vector<8x250xf32>
      %min3A_540 = arith.minimumf %max3A_529, %max3A_533 : vector<8x250xf32>
      %max3A_541 = arith.maximumf %max3A_530, %max3A_534 : vector<8x250xf32>
      %min3A_542 = arith.minimumf %max3A_530, %max3A_534 : vector<8x250xf32>
      %max3A_543 = arith.maximumf %max3A_535, %max3A_539 : vector<8x250xf32>
      %min3A_544 = arith.minimumf %max3A_535, %max3A_539 : vector<8x250xf32>
      %max3A_545 = arith.maximumf %max3A_537, %max3A_541 : vector<8x250xf32>
      %min3A_546 = arith.minimumf %max3A_537, %max3A_541 : vector<8x250xf32>
      %max3A_547 = arith.maximumf %min3A_536, %min3A_540 : vector<8x250xf32>
      %min3A_548 = arith.minimumf %min3A_536, %min3A_540 : vector<8x250xf32>
      %max3A_549 = arith.maximumf %min3A_538, %min3A_542 : vector<8x250xf32>
      %min3A_550 = arith.minimumf %min3A_538, %min3A_542 : vector<8x250xf32>
      %max3A_551 = arith.maximumf %max3A_543, %max3A_545 : vector<8x250xf32>
      %min3A_552 = arith.minimumf %max3A_543, %max3A_545 : vector<8x250xf32>
      %max3A_553 = arith.maximumf %min3A_544, %min3A_546 : vector<8x250xf32>
      %min3A_554 = arith.minimumf %min3A_544, %min3A_546 : vector<8x250xf32>
      %max3A_555 = arith.maximumf %max3A_547, %max3A_549 : vector<8x250xf32>
      %min3A_556 = arith.minimumf %max3A_547, %max3A_549 : vector<8x250xf32>
      %max3A_557 = arith.maximumf %min3A_548, %min3A_550 : vector<8x250xf32>
      %min3A_558 = arith.minimumf %min3A_548, %min3A_550 : vector<8x250xf32>
      scf.yield %max3A_481, %min3A_482, %max3A_483, %min3A_484, %max3A_485, %min3A_486, %max3A_487, %min3A_488, %max3A_551, %min3A_552, %max3A_553, %min3A_554, %max3A_555, %min3A_556, %max3A_557, %min3A_558 : vector<8x250xf32>, vector<8x250xf32>, vector<8x250xf32>, vector<8x250xf32>, vector<8x250xf32>, vector<8x250xf32>, vector<8x250xf32>, vector<8x250xf32>, vector<8x250xf32>, vector<8x250xf32>, vector<8x250xf32>, vector<8x250xf32>, vector<8x250xf32>, vector<8x250xf32>, vector<8x250xf32>, vector<8x250xf32>
    }
    %scan3A_37 = arith.constant 25 : i32
    %concatenate3A = tpu.concatenate %scan3A_36#0, %scan3A_36#1, %scan3A_36#2, %scan3A_36#3, %scan3A_36#4, %scan3A_36#5, %scan3A_36#6, %scan3A_36#7, %scan3A_36#8, %scan3A_36#9, %scan3A_36#10, %scan3A_36#11, %scan3A_36#12, %scan3A_36#13, %scan3A_36#14, %scan3A_36#15 in 1 : vector<8x250xf32>, vector<8x250xf32>, vector<8x250xf32>, vector<8x250xf32>, vector<8x250xf32>, vector<8x250xf32>, vector<8x250xf32>, vector<8x250xf32>, vector<8x250xf32>, vector<8x250xf32>, vector<8x250xf32>, vector<8x250xf32>, vector<8x250xf32>, vector<8x250xf32>, vector<8x250xf32>, vector<8x250xf32> -> vector<8x4000xf32>
    %iota3A = tpu.iota {dimensions = array<i32: 1>} : vector<8x4000xi32>
    %reduce_max3A = arith.constant dense<0xFF800000> : vector<8xf32>
    %reduce_max3A_38 = vector.multi_reduction <maximumf>, %concatenate3A, %reduce_max3A [1] : vector<8x4000xf32> to vector<8xf32>
    %broadcast_in_dim3A_39 = vector.shape_cast %reduce_max3A_38 : vector<8xf32> to vector<8x1xf32>
    %eq3A = vector.broadcast %broadcast_in_dim3A_39 : vector<8x1xf32> to vector<8x4000xf32>
    %eq3A_40 = arith.cmpf oeq, %concatenate3A, %eq3A : vector<8x4000xf32>
    %jit3A = arith.constant 2147483647 : i32
    %broadcast_in_dim3A_41 = vector.broadcast %jit3A : i32 to vector<8x4000xi32>
    %select_n3A = arith.select %eq3A_40, %iota3A, %broadcast_in_dim3A_41 : vector<8x4000xi1>, vector<8x4000xi32>
    %reduce_min3A = arith.constant dense<2147483647> : vector<8xi32>
    %reduce_min3A_42 = vector.multi_reduction <minsi>, %select_n3A, %reduce_min3A [1] : vector<8x4000xi32> to vector<8xi32>
    %broadcast_in_dim3A_43 = vector.shape_cast %reduce_min3A_42 : vector<8xi32> to vector<8x1xi32>
    %eq3A_44 = vector.broadcast %broadcast_in_dim3A_43 : vector<8x1xi32> to vector<8x4000xi32>
    %eq3A_45 = arith.cmpi eq, %iota3A, %eq3A_44 : vector<8x4000xi32>
    %jit3A_46 = arith.constant 0xFF800000 : f32
    %broadcast_in_dim3A_47 = vector.broadcast %jit3A_46 : f32 to vector<8x4000xf32>
    %select_n3A_48 = arith.select %eq3A_45, %broadcast_in_dim3A_47, %concatenate3A : vector<8x4000xi1>, vector<8x4000xf32>
    %reduce_max3A_49 = arith.constant dense<0xFF800000> : vector<8xf32>
    %reduce_max3A_50 = vector.multi_reduction <maximumf>, %select_n3A_48, %reduce_max3A_49 [1] : vector<8x4000xf32> to vector<8xf32>
    %broadcast_in_dim3A_51 = vector.shape_cast %reduce_max3A_50 : vector<8xf32> to vector<8x1xf32>
    %eq3A_52 = vector.broadcast %broadcast_in_dim3A_51 : vector<8x1xf32> to vector<8x4000xf32>
    %eq3A_53 = arith.cmpf oeq, %select_n3A_48, %eq3A_52 : vector<8x4000xf32>
    %jit3A_54 = arith.constant 2147483647 : i32
    %broadcast_in_dim3A_55 = vector.broadcast %jit3A_54 : i32 to vector<8x4000xi32>
    %select_n3A_56 = arith.select %eq3A_53, %iota3A, %broadcast_in_dim3A_55 : vector<8x4000xi1>, vector<8x4000xi32>
    %reduce_min3A_57 = arith.constant dense<2147483647> : vector<8xi32>
    %reduce_min3A_58 = vector.multi_reduction <minsi>, %select_n3A_56, %reduce_min3A_57 [1] : vector<8x4000xi32> to vector<8xi32>
    %broadcast_in_dim3A_59 = vector.shape_cast %reduce_min3A_58 : vector<8xi32> to vector<8x1xi32>
    %eq3A_60 = vector.broadcast %broadcast_in_dim3A_59 : vector<8x1xi32> to vector<8x4000xi32>
    %eq3A_61 = arith.cmpi eq, %iota3A, %eq3A_60 : vector<8x4000xi32>
    %jit3A_62 = arith.constant 0xFF800000 : f32
    %broadcast_in_dim3A_63 = vector.broadcast %jit3A_62 : f32 to vector<8x4000xf32>
    %select_n3A_64 = arith.select %eq3A_61, %broadcast_in_dim3A_63, %select_n3A_48 : vector<8x4000xi1>, vector<8x4000xf32>
    %reduce_max3A_65 = arith.constant dense<0xFF800000> : vector<8xf32>
    %reduce_max3A_66 = vector.multi_reduction <maximumf>, %select_n3A_64, %reduce_max3A_65 [1] : vector<8x4000xf32> to vector<8xf32>
    %broadcast_in_dim3A_67 = vector.shape_cast %reduce_max3A_66 : vector<8xf32> to vector<8x1xf32>
    %eq3A_68 = vector.broadcast %broadcast_in_dim3A_67 : vector<8x1xf32> to vector<8x4000xf32>
    %eq3A_69 = arith.cmpf oeq, %select_n3A_64, %eq3A_68 : vector<8x4000xf32>
    %jit3A_70 = arith.constant 2147483647 : i32
    %broadcast_in_dim3A_71 = vector.broadcast %jit3A_70 : i32 to vector<8x4000xi32>
    %select_n3A_72 = arith.select %eq3A_69, %iota3A, %broadcast_in_dim3A_71 : vector<8x4000xi1>, vector<8x4000xi32>
    %reduce_min3A_73 = arith.constant dense<2147483647> : vector<8xi32>
    %reduce_min3A_74 = vector.multi_reduction <minsi>, %select_n3A_72, %reduce_min3A_73 [1] : vector<8x4000xi32> to vector<8xi32>
    %broadcast_in_dim3A_75 = vector.shape_cast %reduce_min3A_74 : vector<8xi32> to vector<8x1xi32>
    %eq3A_76 = vector.broadcast %broadcast_in_dim3A_75 : vector<8x1xi32> to vector<8x4000xi32>
    %eq3A_77 = arith.cmpi eq, %iota3A, %eq3A_76 : vector<8x4000xi32>
    %jit3A_78 = arith.constant 0xFF800000 : f32
    %broadcast_in_dim3A_79 = vector.broadcast %jit3A_78 : f32 to vector<8x4000xf32>
    %select_n3A_80 = arith.select %eq3A_77, %broadcast_in_dim3A_79, %select_n3A_64 : vector<8x4000xi1>, vector<8x4000xf32>
    %reduce_max3A_81 = arith.constant dense<0xFF800000> : vector<8xf32>
    %reduce_max3A_82 = vector.multi_reduction <maximumf>, %select_n3A_80, %reduce_max3A_81 [1] : vector<8x4000xf32> to vector<8xf32>
    %broadcast_in_dim3A_83 = vector.shape_cast %reduce_max3A_82 : vector<8xf32> to vector<8x1xf32>
    %eq3A_84 = vector.broadcast %broadcast_in_dim3A_83 : vector<8x1xf32> to vector<8x4000xf32>
    %eq3A_85 = arith.cmpf oeq, %select_n3A_80, %eq3A_84 : vector<8x4000xf32>
    %jit3A_86 = arith.constant 2147483647 : i32
    %broadcast_in_dim3A_87 = vector.broadcast %jit3A_86 : i32 to vector<8x4000xi32>
    %select_n3A_88 = arith.select %eq3A_85, %iota3A, %broadcast_in_dim3A_87 : vector<8x4000xi1>, vector<8x4000xi32>
    %reduce_min3A_89 = arith.constant dense<2147483647> : vector<8xi32>
    %reduce_min3A_90 = vector.multi_reduction <minsi>, %select_n3A_88, %reduce_min3A_89 [1] : vector<8x4000xi32> to vector<8xi32>
    %broadcast_in_dim3A_91 = vector.shape_cast %reduce_min3A_90 : vector<8xi32> to vector<8x1xi32>
    %eq3A_92 = vector.broadcast %broadcast_in_dim3A_91 : vector<8x1xi32> to vector<8x4000xi32>
    %eq3A_93 = arith.cmpi eq, %iota3A, %eq3A_92 : vector<8x4000xi32>
    %jit3A_94 = arith.constant 0xFF800000 : f32
    %broadcast_in_dim3A_95 = vector.broadcast %jit3A_94 : f32 to vector<8x4000xf32>
    %select_n3A_96 = arith.select %eq3A_93, %broadcast_in_dim3A_95, %select_n3A_80 : vector<8x4000xi1>, vector<8x4000xf32>
    %reduce_max3A_97 = arith.constant dense<0xFF800000> : vector<8xf32>
    %reduce_max3A_98 = vector.multi_reduction <maximumf>, %select_n3A_96, %reduce_max3A_97 [1] : vector<8x4000xf32> to vector<8xf32>
    %broadcast_in_dim3A_99 = vector.shape_cast %reduce_max3A_98 : vector<8xf32> to vector<8x1xf32>
    %eq3A_100 = vector.broadcast %broadcast_in_dim3A_99 : vector<8x1xf32> to vector<8x4000xf32>
    %eq3A_101 = arith.cmpf oeq, %select_n3A_96, %eq3A_100 : vector<8x4000xf32>
    %jit3A_102 = arith.constant 2147483647 : i32
    %broadcast_in_dim3A_103 = vector.broadcast %jit3A_102 : i32 to vector<8x4000xi32>
    %select_n3A_104 = arith.select %eq3A_101, %iota3A, %broadcast_in_dim3A_103 : vector<8x4000xi1>, vector<8x4000xi32>
    %reduce_min3A_105 = arith.constant dense<2147483647> : vector<8xi32>
    %reduce_min3A_106 = vector.multi_reduction <minsi>, %select_n3A_104, %reduce_min3A_105 [1] : vector<8x4000xi32> to vector<8xi32>
    %broadcast_in_dim3A_107 = vector.shape_cast %reduce_min3A_106 : vector<8xi32> to vector<8x1xi32>
    %eq3A_108 = vector.broadcast %broadcast_in_dim3A_107 : vector<8x1xi32> to vector<8x4000xi32>
    %eq3A_109 = arith.cmpi eq, %iota3A, %eq3A_108 : vector<8x4000xi32>
    %jit3A_110 = arith.constant 0xFF800000 : f32
    %broadcast_in_dim3A_111 = vector.broadcast %jit3A_110 : f32 to vector<8x4000xf32>
    %select_n3A_112 = arith.select %eq3A_109, %broadcast_in_dim3A_111, %select_n3A_96 : vector<8x4000xi1>, vector<8x4000xf32>
    %reduce_max3A_113 = arith.constant dense<0xFF800000> : vector<8xf32>
    %reduce_max3A_114 = vector.multi_reduction <maximumf>, %select_n3A_112, %reduce_max3A_113 [1] : vector<8x4000xf32> to vector<8xf32>
    %broadcast_in_dim3A_115 = vector.shape_cast %reduce_max3A_114 : vector<8xf32> to vector<8x1xf32>
    %eq3A_116 = vector.broadcast %broadcast_in_dim3A_115 : vector<8x1xf32> to vector<8x4000xf32>
    %eq3A_117 = arith.cmpf oeq, %select_n3A_112, %eq3A_116 : vector<8x4000xf32>
    %jit3A_118 = arith.constant 2147483647 : i32
    %broadcast_in_dim3A_119 = vector.broadcast %jit3A_118 : i32 to vector<8x4000xi32>
    %select_n3A_120 = arith.select %eq3A_117, %iota3A, %broadcast_in_dim3A_119 : vector<8x4000xi1>, vector<8x4000xi32>
    %reduce_min3A_121 = arith.constant dense<2147483647> : vector<8xi32>
    %reduce_min3A_122 = vector.multi_reduction <minsi>, %select_n3A_120, %reduce_min3A_121 [1] : vector<8x4000xi32> to vector<8xi32>
    %broadcast_in_dim3A_123 = vector.shape_cast %reduce_min3A_122 : vector<8xi32> to vector<8x1xi32>
    %eq3A_124 = vector.broadcast %broadcast_in_dim3A_123 : vector<8x1xi32> to vector<8x4000xi32>
    %eq3A_125 = arith.cmpi eq, %iota3A, %eq3A_124 : vector<8x4000xi32>
    %jit3A_126 = arith.constant 0xFF800000 : f32
    %broadcast_in_dim3A_127 = vector.broadcast %jit3A_126 : f32 to vector<8x4000xf32>
    %select_n3A_128 = arith.select %eq3A_125, %broadcast_in_dim3A_127, %select_n3A_112 : vector<8x4000xi1>, vector<8x4000xf32>
    %reduce_max3A_129 = arith.constant dense<0xFF800000> : vector<8xf32>
    %reduce_max3A_130 = vector.multi_reduction <maximumf>, %select_n3A_128, %reduce_max3A_129 [1] : vector<8x4000xf32> to vector<8xf32>
    %broadcast_in_dim3A_131 = vector.shape_cast %reduce_max3A_130 : vector<8xf32> to vector<8x1xf32>
    %concatenate3A_132 = tpu.concatenate %broadcast_in_dim3A_39, %broadcast_in_dim3A_51, %broadcast_in_dim3A_67, %broadcast_in_dim3A_83, %broadcast_in_dim3A_99, %broadcast_in_dim3A_115, %broadcast_in_dim3A_131 in 1 : vector<8x1xf32>, vector<8x1xf32>, vector<8x1xf32>, vector<8x1xf32>, vector<8x1xf32>, vector<8x1xf32>, vector<8x1xf32> -> vector<8x7xf32>
    %iota3A_133 = tpu.iota {dimensions = array<i32: 1>} : vector<8x250xi32>
    %get3A_134 = arith.constant 0 : index
    %get3A_135 = arith.constant 0 : index
    %get3A_136 = memref.load %arg1[%get3A_134, %get3A_135] : memref<8x1xi32, #tpu.memory_space<smem>>
    %get3A_137 = arith.index_cast %get3A_136 : i32 to index
    %get3A_138 = arith.constant 0 : index
    %get3A_139 = arith.constant 0 : index
    %get3A_140 = vector.load %arg3[%get3A_137, %get3A_138, %get3A_139] : memref<400x8x250xf32, #tpu.memory_space<vmem>>, vector<1x1x250xf32>
    %get3A_141 = vector.shape_cast %get3A_140 : vector<1x1x250xf32> to vector<250xf32>
    %reshape3A = vector.shape_cast %get3A_141 : vector<250xf32> to vector<1x250xf32>
    %get3A_142 = arith.constant 1 : index
    %get3A_143 = arith.constant 0 : index
    %get3A_144 = memref.load %arg1[%get3A_142, %get3A_143] : memref<8x1xi32, #tpu.memory_space<smem>>
    %get3A_145 = arith.index_cast %get3A_144 : i32 to index
    %get3A_146 = arith.constant 1 : index
    %get3A_147 = arith.constant 0 : index
    %get3A_148 = vector.load %arg3[%get3A_145, %get3A_146, %get3A_147] : memref<400x8x250xf32, #tpu.memory_space<vmem>>, vector<1x1x250xf32>
    %get3A_149 = vector.shape_cast %get3A_148 : vector<1x1x250xf32> to vector<250xf32>
    %reshape3A_150 = vector.shape_cast %get3A_149 : vector<250xf32> to vector<1x250xf32>
    %get3A_151 = arith.constant 2 : index
    %get3A_152 = arith.constant 0 : index
    %get3A_153 = memref.load %arg1[%get3A_151, %get3A_152] : memref<8x1xi32, #tpu.memory_space<smem>>
    %get3A_154 = arith.index_cast %get3A_153 : i32 to index
    %get3A_155 = arith.constant 2 : index
    %get3A_156 = arith.constant 0 : index
    %get3A_157 = vector.load %arg3[%get3A_154, %get3A_155, %get3A_156] : memref<400x8x250xf32, #tpu.memory_space<vmem>>, vector<1x1x250xf32>
    %get3A_158 = vector.shape_cast %get3A_157 : vector<1x1x250xf32> to vector<250xf32>
    %reshape3A_159 = vector.shape_cast %get3A_158 : vector<250xf32> to vector<1x250xf32>
    %get3A_160 = arith.constant 3 : index
    %get3A_161 = arith.constant 0 : index
    %get3A_162 = memref.load %arg1[%get3A_160, %get3A_161] : memref<8x1xi32, #tpu.memory_space<smem>>
    %get3A_163 = arith.index_cast %get3A_162 : i32 to index
    %get3A_164 = arith.constant 3 : index
    %get3A_165 = arith.constant 0 : index
    %get3A_166 = vector.load %arg3[%get3A_163, %get3A_164, %get3A_165] : memref<400x8x250xf32, #tpu.memory_space<vmem>>, vector<1x1x250xf32>
    %get3A_167 = vector.shape_cast %get3A_166 : vector<1x1x250xf32> to vector<250xf32>
    %reshape3A_168 = vector.shape_cast %get3A_167 : vector<250xf32> to vector<1x250xf32>
    %get3A_169 = arith.constant 4 : index
    %get3A_170 = arith.constant 0 : index
    %get3A_171 = memref.load %arg1[%get3A_169, %get3A_170] : memref<8x1xi32, #tpu.memory_space<smem>>
    %get3A_172 = arith.index_cast %get3A_171 : i32 to index
    %get3A_173 = arith.constant 4 : index
    %get3A_174 = arith.constant 0 : index
    %get3A_175 = vector.load %arg3[%get3A_172, %get3A_173, %get3A_174] : memref<400x8x250xf32, #tpu.memory_space<vmem>>, vector<1x1x250xf32>
    %get3A_176 = vector.shape_cast %get3A_175 : vector<1x1x250xf32> to vector<250xf32>
    %reshape3A_177 = vector.shape_cast %get3A_176 : vector<250xf32> to vector<1x250xf32>
    %get3A_178 = arith.constant 5 : index
    %get3A_179 = arith.constant 0 : index
    %get3A_180 = memref.load %arg1[%get3A_178, %get3A_179] : memref<8x1xi32, #tpu.memory_space<smem>>
    %get3A_181 = arith.index_cast %get3A_180 : i32 to index
    %get3A_182 = arith.constant 5 : index
    %get3A_183 = arith.constant 0 : index
    %get3A_184 = vector.load %arg3[%get3A_181, %get3A_182, %get3A_183] : memref<400x8x250xf32, #tpu.memory_space<vmem>>, vector<1x1x250xf32>
    %get3A_185 = vector.shape_cast %get3A_184 : vector<1x1x250xf32> to vector<250xf32>
    %reshape3A_186 = vector.shape_cast %get3A_185 : vector<250xf32> to vector<1x250xf32>
    %get3A_187 = arith.constant 6 : index
    %get3A_188 = arith.constant 0 : index
    %get3A_189 = memref.load %arg1[%get3A_187, %get3A_188] : memref<8x1xi32, #tpu.memory_space<smem>>
    %get3A_190 = arith.index_cast %get3A_189 : i32 to index
    %get3A_191 = arith.constant 6 : index
    %get3A_192 = arith.constant 0 : index
    %get3A_193 = vector.load %arg3[%get3A_190, %get3A_191, %get3A_192] : memref<400x8x250xf32, #tpu.memory_space<vmem>>, vector<1x1x250xf32>
    %get3A_194 = vector.shape_cast %get3A_193 : vector<1x1x250xf32> to vector<250xf32>
    %reshape3A_195 = vector.shape_cast %get3A_194 : vector<250xf32> to vector<1x250xf32>
    %get3A_196 = arith.constant 7 : index
    %get3A_197 = arith.constant 0 : index
    %get3A_198 = memref.load %arg1[%get3A_196, %get3A_197] : memref<8x1xi32, #tpu.memory_space<smem>>
    %get3A_199 = arith.index_cast %get3A_198 : i32 to index
    %get3A_200 = arith.constant 7 : index
    %get3A_201 = arith.constant 0 : index
    %get3A_202 = vector.load %arg3[%get3A_199, %get3A_200, %get3A_201] : memref<400x8x250xf32, #tpu.memory_space<vmem>>, vector<1x1x250xf32>
    %get3A_203 = vector.shape_cast %get3A_202 : vector<1x1x250xf32> to vector<250xf32>
    %reshape3A_204 = vector.shape_cast %get3A_203 : vector<250xf32> to vector<1x250xf32>
    %concatenate3A_205 = tpu.concatenate %reshape3A, %reshape3A_150, %reshape3A_159, %reshape3A_168, %reshape3A_177, %reshape3A_186, %reshape3A_195, %reshape3A_204 in 0 : vector<1x250xf32>, vector<1x250xf32>, vector<1x250xf32>, vector<1x250xf32>, vector<1x250xf32>, vector<1x250xf32>, vector<1x250xf32>, vector<1x250xf32> -> vector<8x250xf32>
    %eq3A_206 = vector.broadcast %get3A_1 : vector<8x1xi32> to vector<8x250xi32>
    %eq3A_207 = arith.cmpi eq, %iota3A_133, %eq3A_206 : vector<8x250xi32>
    %jit3A_208 = arith.constant 0.000000e+00 : f32
    %broadcast_in_dim3A_209 = vector.broadcast %jit3A_208 : f32 to vector<8x250xf32>
    %select_n3A_210 = arith.select %eq3A_207, %concatenate3A_205, %broadcast_in_dim3A_209 : vector<8x250xi1>, vector<8x250xf32>
    %reduce_sum3A = arith.constant dense<0.000000e+00> : vector<8xf32>
    %reduce_sum3A_211 = vector.multi_reduction <add>, %select_n3A_210, %reduce_sum3A [1] : vector<8x250xf32> to vector<8xf32>
    %broadcast_in_dim3A_212 = vector.shape_cast %reduce_sum3A_211 : vector<8xf32> to vector<8x1xf32>
    %slice3A = vector.extract_strided_slice %concatenate3A_132 {offsets = [0, 0], sizes = [8, 1], strides = [1, 1]} : vector<8x7xf32> to vector<8x1xf32>
    %reshape3A_213 = vector.shape_cast %slice3A : vector<8x1xf32> to vector<1x8x1xf32>
    %get3A_214 = arith.constant 0 : index
    %get3A_215 = arith.constant 0 : index
    %get3A_216 = arith.constant 0 : index
    %get3A_217 = vector.load %arg3[%get3A_214, %get3A_215, %get3A_216] : memref<400x8x250xf32, #tpu.memory_space<vmem>>, vector<400x8x250xf32>
    %sub3A = vector.broadcast %reshape3A_213 : vector<1x8x1xf32> to vector<400x8x250xf32>
    %sub3A_218 = arith.subf %get3A_217, %sub3A : vector<400x8x250xf32>
    %exp3A = math.exp %sub3A_218 : vector<400x8x250xf32>
    %reduce_sum3A_219 = arith.constant dense<0.000000e+00> : vector<400x8xf32>
    %reduce_sum3A_220 = vector.multi_reduction <add>, %exp3A, %reduce_sum3A_219 [2] : vector<400x8x250xf32> to vector<400x8xf32>
    %reduce_sum3A_221 = arith.constant dense<0.000000e+00> : vector<8xf32>
    %reduce_sum3A_222 = vector.multi_reduction <add>, %reduce_sum3A_220, %reduce_sum3A_221 [0] : vector<400x8xf32> to vector<8xf32>
    %reshape3A_223 = vector.shape_cast %reduce_sum3A_222 : vector<8xf32> to vector<8x1xf32>
    %slice3A_224 = vector.extract_strided_slice %concatenate3A_132 {offsets = [0, 6], sizes = [8, 1], strides = [1, 1]} : vector<8x7xf32> to vector<8x1xf32>
    %ge3A = arith.cmpf oge, %broadcast_in_dim3A_212, %slice3A_224 : vector<8x1xf32>
    %select_n3A_225 = arith.select %ge3A, %broadcast_in_dim3A_212, %slice3A_224 : vector<8x1xi1>, vector<8x1xf32>
    %iota3A_226 = tpu.iota {dimensions = array<i32: 1>} : vector<8x7xi32>
    %eq3A_227 = vector.broadcast %select_n3A_225 : vector<8x1xf32> to vector<8x7xf32>
    %eq3A_228 = arith.cmpf oeq, %concatenate3A_132, %eq3A_227 : vector<8x7xf32>
    %jit3A_229 = arith.constant 2147483647 : i32
    %broadcast_in_dim3A_230 = vector.broadcast %jit3A_229 : i32 to vector<8x7xi32>
    %select_n3A_231 = arith.select %eq3A_228, %iota3A_226, %broadcast_in_dim3A_230 : vector<8x7xi1>, vector<8x7xi32>
    %reduce_min3A_232 = arith.constant dense<2147483647> : vector<8xi32>
    %reduce_min3A_233 = vector.multi_reduction <minsi>, %select_n3A_231, %reduce_min3A_232 [1] : vector<8x7xi32> to vector<8xi32>
    %broadcast_in_dim3A_234 = vector.shape_cast %reduce_min3A_233 : vector<8xi32> to vector<8x1xi32>
    %ne3A = vector.broadcast %broadcast_in_dim3A_234 : vector<8x1xi32> to vector<8x7xi32>
    %ne3A_235 = arith.cmpi ne, %iota3A_226, %ne3A : vector<8x7xi32>
    %sub3A_236 = arith.subf %broadcast_in_dim3A_212, %slice3A : vector<8x1xf32>
    %exp3A_237 = math.exp %sub3A_236 : vector<8x1xf32>
    %div3A = arith.divf %exp3A_237, %reshape3A_223 : vector<8x1xf32>
    %sub3A_238 = vector.broadcast %slice3A : vector<8x1xf32> to vector<8x7xf32>
    %sub3A_239 = arith.subf %concatenate3A_132, %sub3A_238 : vector<8x7xf32>
    %exp3A_240 = math.exp %sub3A_239 : vector<8x7xf32>
    %div3A_241 = vector.broadcast %reshape3A_223 : vector<8x1xf32> to vector<8x7xf32>
    %div3A_242 = arith.divf %exp3A_240, %div3A_241 : vector<8x7xf32>
    %add3A = arith.constant 1.000000e+00 : f32
    %add3A_243 = vector.broadcast %add3A : f32 to vector<8x7xf32>
    %add3A_244 = arith.addf %add3A_243, %div3A_242 : vector<8x7xf32>
    %sub3A_245 = vector.broadcast %div3A : vector<8x1xf32> to vector<8x7xf32>
    %sub3A_246 = arith.subf %add3A_244, %sub3A_245 : vector<8x7xf32>
    %integer_pow3A = arith.mulf %sub3A_246, %sub3A_246 : vector<8x7xf32>
    %jit3A_247 = arith.constant 0.000000e+00 : f32
    %broadcast_in_dim3A_248 = vector.broadcast %jit3A_247 : f32 to vector<8x7xf32>
    %select_n3A_249 = arith.select %ne3A_235, %integer_pow3A, %broadcast_in_dim3A_248 : vector<8x7xi1>, vector<8x7xf32>
    %reduce_sum3A_250 = arith.constant dense<0.000000e+00> : vector<8xf32>
    %reduce_sum3A_251 = vector.multi_reduction <add>, %select_n3A_249, %reduce_sum3A_250 [1] : vector<8x7xf32> to vector<8xf32>
    %broadcast_in_dim3A_252 = vector.shape_cast %reduce_sum3A_251 : vector<8xf32> to vector<8x1xf32>
    %div3A_253 = arith.constant 5.000000e+00 : f32
    %div3A_254 = vector.broadcast %div3A_253 : f32 to vector<8x1xf32>
    %div3A_255 = arith.divf %broadcast_in_dim3A_252, %div3A_254 : vector<8x1xf32>
    %reduce_sum3A_256 = vector.shape_cast %div3A_255 : vector<8x1xf32> to vector<1x8x1xf32>
    %reduce_sum3A_257 = arith.constant dense<0.000000e+00> : vector<1xf32>
    %reduce_sum3A_258 = vector.multi_reduction <add>, %reduce_sum3A_256, %reduce_sum3A_257 [1, 2] : vector<1x8x1xf32> to vector<1xf32>
    %reduce_sum3A_259 = vector.shape_cast %reduce_sum3A_258 : vector<1xf32> to vector<1x1x1xf32>
    %reduce_sum3A_260 = vector.extract %reduce_sum3A_259[0, 0, 0] : f32 from vector<1x1x1xf32>
    %div3A_261 = arith.constant 1.280000e+02 : f32
    %div3A_262 = arith.divf %reduce_sum3A_260, %div3A_261 : f32
    %reshape3A_263 = vector.broadcast %div3A_262 : f32 to vector<1x1xf32>
    %eq3A_264 = arith.constant 0 : i32
    %eq3A_265 = arith.cmpi eq, %arg0, %eq3A_264 : i32
    %convert_element_type3A = arith.extui %eq3A_265 : i1 to i32
    %cond3A = arith.constant 0 : i32
    %cond3A_266 = arith.cmpi ne, %convert_element_type3A, %cond3A : i32
    scf.if %cond3A_266 {
      %broadcast_in_dim3A_273 = arith.constant 0.000000e+00 : f32
      %broadcast_in_dim3A_274 = vector.broadcast %broadcast_in_dim3A_273 : f32 to vector<1x1xf32>
      %swap3A_275 = arith.constant 0 : index
      %swap3A_276 = arith.constant 0 : index
      %swap3A_277 = vector.load %arg4[%swap3A_275, %swap3A_276] : memref<1x1xf32, #tpu.memory_space<vmem>>, vector<1x1xf32>
      tpu.vector_store %arg4[%swap3A_275, %swap3A_276], %broadcast_in_dim3A_274 {strides = array<i32>} : memref<1x1xf32, #tpu.memory_space<vmem>>, vector<1x1xf32>,
    } else {
    }
    %get3A_267 = arith.constant 0 : index
    %get3A_268 = arith.constant 0 : index
    %get3A_269 = vector.load %arg4[%get3A_267, %get3A_268] : memref<1x1xf32, #tpu.memory_space<vmem>>, vector<1x1xf32>
    %add3A_270 = arith.addf %get3A_269, %reshape3A_263 : vector<1x1xf32>
    %swap3A = arith.constant 0 : index
    %swap3A_271 = arith.constant 0 : index
    %swap3A_272 = vector.load %arg4[%swap3A, %swap3A_271] : memref<1x1xf32, #tpu.memory_space<vmem>>, vector<1x1xf32>
    tpu.vector_store %arg4[%swap3A, %swap3A_271], %add3A_270 {strides = array<i32>} : memref<1x1xf32, #tpu.memory_space<vmem>>, vector<1x1xf32>,
    return
  }
  func.func @transform_0(%arg0: i32) -> (i32, i32) {
    %c0_i32 = arith.constant 0 : i32
    %c0_i32_0 = arith.constant 0 : i32
    return %arg0, %c0_i32 : i32, i32
  }
  func.func @transform_1(%arg0: i32) -> (i32, i32) {
    %c0_i32 = arith.constant 0 : i32
    %c0_i32_0 = arith.constant 0 : i32
    return %arg0, %c0_i32 : i32, i32
  }
  func.func @transform_2(%arg0: i32) -> (i32, i32, i32) {
    %c0_i32 = arith.constant 0 : i32
    %c0_i32_0 = arith.constant 0 : i32
    %c0_i32_1 = arith.constant 0 : i32
    return %c0_i32, %arg0, %c0_i32_0 : i32, i32, i32
  }
  func.func @transform_3(%arg0: i32) -> (i32, i32) {
    %c0_i32 = arith.constant 0 : i32
    %c0_i32_0 = arith.constant 0 : i32
    %c0_i32_1 = arith.constant 0 : i32
    return %c0_i32, %c0_i32_0 : i32, i32
  }
}

</mosaic_0001>

<sc_bundles>
// kernel: sparse-core-data-format-call.cloned.1.call-start
scs
called_computation_lowered:
.L_overlay_start_0:
0x0: {  	s1 =	sld [smem:$0x3FD9]  }
0x1: {  	s2 =	sld [smem:$0x3FFE];
	_ =	sdelay $0x1  }
0x2: {  	s3 =	srdreg.scid  }
0x3: {  	s0 =	sand.u32 $0x1, s3  }
0x4: {  	s17 =	sshll.u32 s0, $0xA;
	s1 =	sadd.s32 s2, s1  }
0x5: {  	s1 =	sadd.s32 s1, s17  }
0x6: {  	[smem:$0x3FC6] =	sst s1  }
0x7: {  	_ = 	snop  }
0x8: {  	(tm) =	ssettm $0x1  }
0x9: {  	s18 =	sld [smem:$0x3FFB];
	_ =	sdelay $0x3  }
0xa: {  	_ =	strace s18  }
0xb: {  	s1 =	sld [smem:$0x3FFC];
	_ =	sdelay $0x3  }
0xc: {  	_ =	strace s1  }
0xd: {  	s1 =	sld [smem:$0x3FFD];
	_ =	sdelay $0x3  }
0xe: {  	_ =	strace s1  }
0xf: {  	_ =	strace $0x8FFFFFFF  }
0x10: {  	s19 =	sld [smem:$0x3FDB];
	_ =	sdelay $0x1  }
0x11: {  	s20 =	simm.s32 $_scs_section_size  }
0x12: {  	s4 =	simm.s32 $_size__tile_overlayer_lowered;
	s5 =	simm.s32 $_tile_overlayer_lowered  }
0x13: {  	s23 =	simm.s32 $0x1BFF;
	s22 =	sshll.u32 s5, $0x1;
	s1 =	sadd.s32 s20, s19  }
0x14: {  	s6 =	simm.s32 $0x0;
	s21 =	sshll.u32 s4, $0x1;
	s4 =	sadd.s32 s22, s1  }
0x15: {  	[timem:s6], [sflag:s23] =	dma.local [hbm:s4], s21  }
0x16: {  	_ =	swait.ge [sflag:s23], s21  }
0x17: {  	s2 =	ssub.s32 $0x0, s21;
	[sflag:s23] =	ssyncset.done $0x0  }
0x18: {  	[sflag:s23] =	ssyncadd.s32 s2;
	_ =	sdelay $0x1  }
0x19: {  	s24 =	simm.s32 $0x1B8B  }
0x1a: {  	_ =	swait.ge [sflag:s24], $0x1  }
0x1b: {  	[sflag:s24] =	ssyncset.done $0x0  }
0x1c: {  	s26 =	simm.s32 $0x1B8E;
	s25 =	sld [smem:$0x3FFE];
	[sflag:s24] =	ssyncadd.s32 $0xFFFFFFFF  }
0x1d: {  	s27 =	simm.s32 $execute0_lowered;
	[smem:$0x3FD2] =	sst s26  }
0x1e: {  	s4 =	sshll.u32 s27, $0x1;
	_ =	strace $0x80000046;
	[dreg:$0x1] =	wrdreg $0xFFFFFFFF  }
0x1f: {  	s28 =	simm.s32 $_size_execute0_lowered;
	s1 =	sadd.s32 s1, s4;
	[dreg:$0x0] =	wrdreg $0x0  }
0x20: {  	s4 =	sshll.u32 s28, $0x1;
	[dreg:$0x2] =	wrdreg s1  }
0x21: {  	[dreg:$0x3] =	wrdreg s4  }
0x22: {  	[dreg:$0x4] =	wrdreg $0xC0  }
0x23: {  	_ =	task [dreg:s6], $0x5FFFF  }
0x24: {  	[dreg:$0x1] =	wrdreg $0xFFFFFFFF  }
0x25: {  	[dreg:$0x0] =	wrdreg $0x60  }
0x26: {  	[dreg:$0x2] =	wrdreg s25  }
0x27: {  	[dreg:$0x3] =	wrdreg $0x9  }
0x28: {  	_ =	task.clear_ibuf [dreg:s6], $0x4FFFF;
	_ =	strace $0x90000046  }
0x29: {  	s29 =	simm.s32 $0x9;
	_ =	strace $0x80000048  }
0x2a: {  	_ =	swait.ge [sflag:s29], $0x1  }
0x2b: {  	[sflag:s29] =	ssyncadd.s32 $0xFFFFFFFF  }
0x2c: {  	_ =	strace $0x90000048  }
0x2d: {  	_ =	sfence  }
0x2e: {  	s30 =	sld [smem:$0x0];
	_ =	sdelay $0x2  }
0x2f: {  	s31 =	sshll.u32 s3, $0xD;
	s3 =	sshrl.u32 s3, $0x2  }
0x30: {  	s2 =	sand.u32 $0x4000, s31;
	s1 =	sadd.s32 s3, s30  }
0x31: {  	s0 =	sor.u32 s2, s0;
	s1 =	sshll.u32 s1, $0x11  }
0x32: {  	s0 =	sor.u32 s1, s0  }
0x33: {  	s0 =	sadd.s32 $0x8F2B, s0  }
0x34: {  	[sflag:s0] =	ssyncadd.remote.s32 $0x1  }
0x35: {  	_ =	sfence.sel $0xFFFF  }
0x36: {  	[dreg:$0x0] =	wrdreg $0xFFFFFFFF;
	(pc) =	sbr.abs _section_cstart, $3  }
0x37: {  	[dreg:$0x1] =	wrdreg $0xFFFFFFFF  }
0x38: {  	_ =	task.clear_ibuf [dreg:s6], $0x2FFFF;
	_ =	strace $0x9FFFFFFF  }
0x39: {  	(tm) =	ssettm $0x7FFFFFFF  }
tec
execute0_lowered:
.L_overlay_start_1:
0x0: {  	(tag) =	ssettag $0x1  }
0x1: {  	s0 =	srdreg.scid;
	s1 =	rddreg [dreg:$0x0]  }
0x2: {  	s4 =	simm.s32 $0x1;
	s6 =	simm.s32 $0x2;
	s10 =	simm.s32 $0x0  }
0x3: {  	p0 =	por $0x0, $0x0;
	s7 =	simm.s32 $0x800;
	s11 =	simm.s32 $0x0  }
.Ltmp0:
0x4: {  	s9 =	stileid.u32;
	s2 =	sshll.u32 s0, $0x7;
	(pc) =	sbr.rel .LBB1_1-.Ltmp0, $4  }
0x5: {  	s0 =	rddreg [dreg:$0x1];
	_ =	strace $0x80000047;
	s2 =	sand.u32 $0x80, s2  }
0x6: {  	s8 =	simm.s32 $0x0;
	[sflag:s4] =	ssyncpa.u1 $0x0;
	s3 =	sshll.u32 s2, $0x4  }
0x7: {  	[sflag:s6] =	ssyncpa.u1 $0x0;
	s6 =	simm.s32 $0x400;
	s5 =	sadd.s32 s3, s1  }
0x8: {  	s3 =	sadd.s32 $0x190A00, s1;
	s1 =	stileid.u32;
	s5 =	sadd.s32 $0xA00, s5  }
.LBB1_5:
0x9: {  	s12 =	sadd.s32 $0x10, s9  }
0xa: {  	p1 =	slt.u32 s8, $0x2;
	s8 =	sadd.s32 $0x1, s8;
	p2 =	sgt.s32 s12, $0x18F  }
0xb: {  	s12 =	smov.u32 @p2 s1;
	p2 =	sne.s32 s8, $0x1B  }
.Ltmp1:
0xc: {  	_ = 	snop;
	(pc) =	sbr.rel @!p2 .LBB1_6-.Ltmp1, $4  }
0xd: {  	s10 =	simm.s32 @!p1 $0x2  }
0xe: {  	_ =	swait.ge @!p1 [sflag:s10], $0x4000  }
0xf: {  	s11 =	smov.u32 s9;
	p0 =	por !p0, !p0;
	[sflag:s10] =	ssyncset.done @!p1 $0x0  }
0x10: {  	s9 =	smov.u32 s12;
	[sflag:s10] =	ssyncadd.s32 @!p1 $0xFFFFC000;
	s10 =	smov.u32 s2  }
.LBB1_1:
0x11: {  	p1 =	sgt.u32 s8, $0x18  }
0x12: {  	s12 =	sxor.u32 @!p1 $0xFFFFFFFF, s8  }
0x13: {  	s13 =	sshll.u32 @!p1 s9, $0xC;
	s12 =	sshll.u32 @!p1 s12, $0xE  }
0x14: {  	s14 =	simm.s32 @!p1 $0x0;
	s13 =	sadd.s32 @!p1 s13, s5;
	s12 =	sand.u32 @!p1 $0x4000, s12  }
0x15: {  	[tilespmem:s12], [sflag:$0x1] =	stream.linear.gather @!p1 [hbm4b:s13+s14], $0x4000, $0x38;
	[tilespmem:$0x10100] =	vst v63  }
0x16: {  	p1 =	seq.s32 s8, $0x0  }
0x17: {  	p2 =	seq.s32 @!p1 s8, $0x1A  }
0x18: {  	p1 =	por p1, p2  }
.Ltmp2:
0x19: {  	_ = 	snop;
	(pc) =	sbr.rel @p1 .LBB1_5-.Ltmp2, $1  }
0x1a: {  	_ =	sdelay $0x3  }
0x1b: {  	s12 =	simm.s32 $0x1  }
0x1c: {  	_ =	swait.ge [sflag:s4], $0x4000;
	s12 =	simm.s32 @!p0 $0x0  }
0x1d: {  	[sflag:s4] =	ssyncset.done $0x0;
	s13 =	sshll.u32 s12, $0xE  }
0x1e: {  	[sflag:s4] =	ssyncadd.s32 $0xFFFFC000;
	s15 =	sor.u32 $0x40, s13  }
0x1f: {  	s12 =	smul.u32 $0x10200, s12;
	v0 =	vld [tilespmem:s15+$0x30]  }
0x20: {  	v3 =	vld [tilespmem:s15+$0xFFFFFFD0]  }
0x21: {  	s12 =	sshrl.u32 s12, $0x2;
	v4 =	vld [tilespmem:s15+$0xFFFFFFE0]  }
0x22: {  	v5 =	vld [tilespmem:s15+$0xFFFFFFF0];
	s13 =	sor.u32 $0x8000, s12  }
0x23: {  	s31 =	sand.u32 $0x1, s8;
	v1 =	vld [tilespmem:s15+$0x0];
	s14 =	sadd.s32 $0x0, s13  }
0x24: {  	v2 =	vld [tilespmem:s15+$0x10];
	s12 =	smul.u32 $0x10200, s31;
	[tilespmem:s14+$0x3870 ss:$0x81] =	vst.msk $0xffff, v0  }
0x25: {  	[tilespmem:s14+$0x810 ss:$0x81] =	vst.msk $0xffff, v3;
	v3 =	vld [tilespmem:s15+$0x20]  }
0x26: {  	s12 =	sshrl.u32 s12, $0x2;
	v0 =	vld [tilespmem:s15+$0xFFFFFFC0];
	[tilespmem:s14+$0x1020 ss:$0x81] =	vst.msk $0xffff, v4;
	s15 =	sadd.s32 $0x80, s15  }
0x27: {  	s16 =	simm.s32 $0x4;
	s17 =	simm.s32 $0x8;
	s12 =	sor.u32 $0x8000, s12;
	[tilespmem:s14+$0x1830 ss:$0x81] =	vst.msk $0xffff, v5;
	v4 =	vld [tilespmem:s15+$0x30]  }
.LBB1_3:
0x28: {  	p1 =	sne.s32 s17, $0x1FC;
	v5 =	vld [tilespmem:s15+$0xFFFFFFD0];
	[tilespmem:s14+$0x2040 ss:$0x81] =	vst.msk $0xffff, v1  }
0x29: {  	v6 =	vld [tilespmem:s15+$0xFFFFFFE0];
	[tilespmem:s14+$0x2850 ss:$0x81] =	vst.msk $0xffff, v2  }
0x2a: {  	s18 =	sshra.s32 s16, $0x2;
	s16 =	smov.u32 s17;
	v7 =	vld [tilespmem:s15+$0xFFFFFFF0];
	[tilespmem:s14+$0x3060 ss:$0x81] =	vst.msk $0xffff, v3  }
.Ltmp3:
0x2b: {  	v1 =	vld [tilespmem:s15+$0x0];
	[tilespmem:s14+$0x0 ss:$0x81] =	vst.msk $0xffff, v0;
	s14 =	sadd.s32 s18, s13;
	(pc) =	sbr.rel @p1 .LBB1_3-.Ltmp3, $4  }
0x2c: {  	v2 =	vld [tilespmem:s15+$0x10];
	[tilespmem:s14+$0x3870 ss:$0x81] =	vst.msk $0xffff, v4  }
0x2d: {  	[tilespmem:s14+$0x810 ss:$0x81] =	vst.msk $0xffff, v5;
	v3 =	vld [tilespmem:s15+$0x20]  }
0x2e: {  	v0 =	vld [tilespmem:s15+$0xFFFFFFC0];
	[tilespmem:s14+$0x1020 ss:$0x81] =	vst.msk $0xffff, v6;
	s15 =	sadd.s32 $0x80, s15  }
0x2f: {  	s17 =	sadd.s32 $0x4, s17;
	v4 =	vld [tilespmem:s15+$0x30];
	[tilespmem:s14+$0x1830 ss:$0x81] =	vst.msk $0xffff, v7  }
0x30: {  	v5 =	vld [tilespmem:s15+$0xFFFFFFD0];
	[tilespmem:s14+$0x2040 ss:$0x81] =	vst.msk $0xffff, v1  }
0x31: {  	v58 =	vld [tilespmem:s15+$0xFFFFFFE0];
	[tilespmem:s14+$0x2850 ss:$0x81] =	vst.msk $0xffff, v2  }
0x32: {  	s16 =	sshra.s32 s16, $0x2;
	v59 =	vld [tilespmem:s15+$0xFFFFFFF0];
	[tilespmem:s14+$0x3060 ss:$0x81] =	vst.msk $0xffff, v3  }
0x33: {  	v60 =	vld [tilespmem:s15+$0x0];
	s13 =	sadd.s32 s16, s13;
	[tilespmem:s14+$0x0 ss:$0x81] =	vst.msk $0xffff, v0  }
0x34: {  	v61 =	vld [tilespmem:s15+$0x10];
	[tilespmem:s13+$0x3870 ss:$0x81] =	vst.msk $0xffff, v4  }
0x35: {  	v62 =	vld [tilespmem:s15+$0x20];
	[tilespmem:s13+$0x810 ss:$0x81] =	vst.msk $0xffff, v5  }
0x36: {  	v63 =	vld [tilespmem:s15+$0xFFFFFFC0];
	[tilespmem:s13+$0x1020 ss:$0x81] =	vst.msk $0xffff, v58  }
0x37: {  	[tilespmem:s13+$0x1830 ss:$0x81] =	vst.msk $0xffff, v59  }
.Ltmp4:
0x38: {  	[tilespmem:s13+$0x2040 ss:$0x81] =	vst.msk $0xffff, v60;
	(pc) =	sbr.rel .LBB1_5-.Ltmp4, $4  }
0x39: {  	[tilespmem:s13+$0x2850 ss:$0x81] =	vst.msk $0xffff, v61  }
0x3a: {  	s11 =	sshll.u32 s11, $0xC;
	s10 =	sadd.s32 s3, s10;
	[tilespmem:s13+$0x3060 ss:$0x81] =	vst.msk $0xffff, v62  }
0x3b: {  	s10 =	sadd.s32 s11, s10;
	[tilespmem:s13+$0x0 ss:$0x81] =	vst.msk $0xffff, v63  }
0x3c: {  	[hbm4b:s10+s6] =	stream.strided.scatter [tilespmem:s12], [sflag:$0x2], $0x4000, s7, s6, $0x20;
	[tilespmem:$0x10100] =	vst v63  }
.LBB1_6:
0x3d: {  	_ =	sfence.sel $0x180000  }
0x3e: {  	s2 =	simm.s32 $0x1;
	[bflag:$0x0] =	sbarrier.arrive $0xFFFF  }
0x3f: {  	s31 =	simm.s32 $0x2;
	[sflag:s2] =	ssyncpa.u1 $0x1  }
0x40: {  	[sflag:s31] =	ssyncpa.u1 $0x1  }
0x41: {  	p0 =	sne.s32 s1, $0x0;
	_ =	strace $0x90000047  }
0x42: {  	s0 =	sadd.s32 @!p0 $0x100000, s0;
	[bflag:$0x2] =	sbarrier.arrive $0xFFFF  }
0x43: {  	[sflag:s0] =	ssyncadd.tile.s32 @!p0 $0x1;
	_ =	shalt  }
.Lfunc_end1:
_tile_overlayer_lowered:
.L_overlay_start_2:
0x44: {  	(tag) =	ssettag $0x2  }
0x45: {  	s0 =	rddreg [dreg:$0x0];
	s2 =	stileid.u32  }
0x46: {  	s1 =	rddreg [dreg:$0x1];
	p0 =	sne.s32 s2, $0x0  }
0x47: {  	s3 =	rddreg [dreg:$0x2];
	[bflag:$0x3] =	sbarrier.arrive $0xFFFF;
	s2 =	simm.s32 @!p0 $0x1C01  }
0x48: {  	[timem:s3], [sflag:s2] =	dma.local @!p0 [hbm:s0], s1  }
0x49: {  	s0 =	simm.s32 @!p0 $0x1  }
0x4a: {  	_ =	swait.ge @!p0 [sflag:s0], s1  }
0x4b: {  	s1 =	ssub.s32 @!p0 $0x0, s1;
	[sflag:s0] =	ssyncset.done @!p0 $0x0  }
0x4c: {  	[sflag:s0] =	ssyncadd.s32 @!p0 s1  }
0x4d: {  	[bflag:$0x3] =	sbarrier.arrive $0xFFFF  }
0x4e: {  	_ =	shalt  }

</sc_bundles>
